<compile_context>
chip_gen: v7x
topology: tpu7x:2x2x1
jax: 0.10.2.dev20260603
libtpu: 0.0.44.dev20260713+nightly
codegen_flags: <defaults>
</compile_context>

<pallas_src>
import functools

import jax
import jax.numpy as jnp
from jax import lax
from jax.experimental import pallas as pl
from jax.experimental.pallas import tpu as pltpu
from jax.experimental.pallas import tpu_sc as plsc

_B = 16384
_D = 32
_V = 1000000
_PACK = 4
_PC = 32768
_PSTEPS = (_V + _PC - 1) // _PC
_VP = _PSTEPS * (_PC // _PACK)


def _tc_pack_body(tT_ref, o_ref):
    n = _PC // _PACK
    col = lax.broadcasted_iota(jnp.int32, (_D, _PACK * _D), 1)
    row = lax.broadcasted_iota(jnp.int32, (_D, _PACK * _D), 0)
    acc = None
    for k in range(_PACK):
        ek = (col == row + k * _D).astype(jnp.float32)
        sub = tT_ref[:, pl.ds(k * n, n)]
        t = lax.dot_general(sub, ek, (((0,), (0,)), ((), ())),
                            preferred_element_type=jnp.float32)
        acc = t if acc is None else acc + t
    o_ref[...] = acc


@functools.cache
def _make_tc_pack():
    return pl.pallas_call(
        _tc_pack_body,
        grid=(_PSTEPS,),
        in_specs=[pl.BlockSpec((_D, _PC), lambda g: (0, g))],
        out_specs=pl.BlockSpec((_PC // _PACK, _PACK * _D), lambda g: (g, 0)),
        out_shape=jax.ShapeDtypeStruct((_VP, _PACK * _D), jnp.float32),
    )


def _sc_gather_body(q_hbm, tp_hbm, out, q_v, grp_v, sem, *, nc, b_per_w):
    wid = lax.axis_index("s") * nc + lax.axis_index("c")
    base = wid * b_per_w
    pltpu.sync_copy(q_hbm.at[pl.ds(base, b_per_w)], q_v)
    pltpu.async_copy(tp_hbm.at[q_v], grp_v, sem).wait()
    pltpu.sync_copy(grp_v, out.at[pl.ds(base, b_per_w)])


@functools.cache
def _make_sc_gather():
    info = plsc.get_sparse_core_info()
    nc, ns = info.num_cores, info.num_subcores
    nw = nc * ns
    assert _B % (8 * nw) == 0
    b_per_w = _B // nw
    mesh = plsc.VectorSubcoreMesh(core_axis_name="c", subcore_axis_name="s")
    return pl.kernel(
        functools.partial(_sc_gather_body, nc=nc, b_per_w=b_per_w),
        out_type=jax.ShapeDtypeStruct((_B, _PACK * _D), jnp.float32),
        mesh=mesh,
        scratch_types=[
            pltpu.VMEM((b_per_w,), jnp.int32),
            pltpu.VMEM((b_per_w, _PACK * _D), jnp.float32),
            pltpu.SemaphoreType.DMA,
        ],
        compiler_params=pltpu.CompilerParams(use_tc_tiling_on_sc=True),
        name="sc_packed_gather",
    )


def _tc_dense_body(u4_ref, i4_ref, up_ref, ip_ref,
                   wut_ref, bu_ref, wit_ref, bi_ref, o_ref):
    def select(x4, phase):
        acc = jnp.zeros((x4.shape[0], _D), jnp.float32)
        for p in range(_PACK):
            m = (phase == p).astype(jnp.float32)
            acc = acc + x4[:, p * _D:(p + 1) * _D] * m
        return acc

    u = select(u4_ref[...], up_ref[...])
    v = select(i4_ref[...], ip_ref[...])
    u = jnp.dot(u, wut_ref[...], preferred_element_type=jnp.float32)
    v = jnp.dot(v, wit_ref[...], preferred_element_type=jnp.float32)
    u = jnp.maximum(u + bu_ref[...], 0.0)
    v = jnp.maximum(v + bi_ref[...], 0.0)
    o_ref[...] = jnp.sum(u * v, axis=1, keepdims=True)


_G = 8
_CB = _B // _G


@functools.cache
def _make_tc_dense():
    return pl.pallas_call(
        _tc_dense_body,
        grid=(_G,),
        in_specs=[
            pl.BlockSpec((_CB, _PACK * _D), lambda g: (g, 0)),
            pl.BlockSpec((_CB, _PACK * _D), lambda g: (g, 0)),
            pl.BlockSpec((_CB, 1), lambda g: (g, 0)),
            pl.BlockSpec((_CB, 1), lambda g: (g, 0)),
            pl.BlockSpec((_D, _D), lambda g: (0, 0)),
            pl.BlockSpec((1, _D), lambda g: (0, 0)),
            pl.BlockSpec((_D, _D), lambda g: (0, 0)),
            pl.BlockSpec((1, _D), lambda g: (0, 0)),
        ],
        out_specs=pl.BlockSpec((_CB, 1), lambda g: (g, 0)),
        out_shape=jax.ShapeDtypeStruct((_B, 1), jnp.float32),
    )


def kernel(users, items, user_table, item_table, W_u, b_u, W_i, b_i):
    sub = _PC // _PACK
    uq = (users // _PC) * sub + (users % sub)
    iq = (items // _PC) * sub + (items % sub)
    utp = _make_tc_pack()(user_table.T)
    u4 = _make_sc_gather()(uq, utp)
    itp = _make_tc_pack()(item_table.T)
    i4 = _make_sc_gather()(iq, itp)
    up = ((users % _PC) // sub).reshape(_B, 1)
    ip = ((items % _PC) // sub).reshape(_B, 1)
    out = _make_tc_dense()(
        u4, i4, up, ip,
        W_u.T, b_u.reshape(1, _D),
        W_i.T, b_i.reshape(1, _D),
    )
    return out.reshape(_B)

# --- scband reference (transcript-rebuilt; emitter-appended) ---
"""Pipeline reference for scband-two-tower-model-3478923509793 (READ-ONLY COPY).

The authoritative reference and input builder live on the scoring server;
editing this copy changes nothing except your own understanding.
"""

import jax, jax.numpy as jnp
import numpy as np

NUM_USERS = 1000000
NUM_ITEMS = 1000000
EMBED_DIM = 32
BATCH = 16384


def setup_inputs(seed: int = 0) -> dict:
    key = jax.random.key(seed)
    k1, k2, k3, k4, k5, k6, k7, k8 = jax.random.split(key, 8)
    users = jax.random.randint(k1, (BATCH,), 0, NUM_USERS, dtype=jnp.int64) if jax.config.jax_enable_x64 else jax.random.randint(k1, (BATCH,), 0, NUM_USERS, dtype=jnp.int32)
    items = jax.random.randint(k2, (BATCH,), 0, NUM_ITEMS, dtype=jnp.int32)
    users = users.astype(jnp.int32)
    user_table = jax.random.normal(k3, (NUM_USERS, EMBED_DIM), dtype=jnp.float32)
    item_table = jax.random.normal(k4, (NUM_ITEMS, EMBED_DIM), dtype=jnp.float32)
    # Linear layers: torch nn.Linear(embed_dim, embed_dim) -> weight [out, in], bias [out]
    bound = 1.0 / np.sqrt(EMBED_DIM)
    W_u = jax.random.uniform(k5, (EMBED_DIM, EMBED_DIM), minval=-bound, maxval=bound, dtype=jnp.float32)
    b_u = jax.random.uniform(k6, (EMBED_DIM,), minval=-bound, maxval=bound, dtype=jnp.float32)
    W_i = jax.random.uniform(k7, (EMBED_DIM, EMBED_DIM), minval=-bound, maxval=bound, dtype=jnp.float32)
    b_i = jax.random.uniform(k8, (EMBED_DIM,), minval=-bound, maxval=bound, dtype=jnp.float32)
    return {"users": users, "items": items, "user_table": user_table, "item_table": item_table, "W_u": W_u, "b_u": b_u, "W_i": W_i, "b_i": b_i}


def reference(users, items, user_table, item_table, W_u, b_u, W_i, b_i):
    u = jnp.take(user_table, users, axis=0)
    i = jnp.take(item_table, items, axis=0)
    u = jax.nn.relu(u @ W_u.T + b_u)
    i = jax.nn.relu(i @ W_i.T + b_i)
    return (u * i).sum(axis=1)

if __name__ == "__main__":
    import jax
    _d = setup_inputs()
    print(jax.jit(kernel)(*tuple(_d.values())))

</pallas_src>

<mosaic_0001>
#map = affine_map<(d0, d1) -> (0)>
#map1 = affine_map<(d0, d1) -> (0, 0)>
module attributes {stable_mosaic.version = 14 : i64} {
  func.func @sc_packed_gather(%arg0: i32, %arg1: i32, %arg2: memref<16384xi32, #tpu.memory_space<hbm>>, %arg3: memref<253952x128xf32, #tpu.memory_space<hbm>>, %arg4: memref<16384x128xf32, #tpu.memory_space<hbm>>, %arg5: memref<512xi32, #tpu.memory_space<vmem>>, %arg6: memref<512x128xf32, #tpu.memory_space<vmem>>, %arg7: memref<!tpu.dma_semaphore, #tpu.memory_space<semaphore_mem>>) attributes {dimension_semantics = [#tpu.dimension_semantics<core_parallel>, #tpu.dimension_semantics<subcore_parallel>], iteration_bounds = array<i64: 2, 16>, scalar_prefetch = 0 : i64, scratch_operands = 3 : i64, tpu.core_type = #tpu.core_type<sc_vector_subcore>, window_params = [{transform_indices = #map}, {transform_indices = #map1}, {transform_indices = #map1}]} {
    %mul3A = arith.constant 2 : i32
    %mul3A_0 = arith.muli %arg1, %mul3A : i32
    %add3A = arith.addi %mul3A_0, %arg0 : i32
    %mul3A_1 = arith.constant 512 : i32
    %mul3A_2 = arith.muli %add3A, %mul3A_1 : i32
    "tpu.region"() ({
      %run_scoped3A = tpu.sem_alloc : memref<!tpu.dma_semaphore, #tpu.memory_space<semaphore_mem>>
      %dma_start3A_7 = tpu.memref_slice %arg2[%mul3A_2] : memref<16384xi32, #tpu.memory_space<hbm>> -> memref<512xi32, #tpu.memory_space<hbm>>
      %dma_start3A_8 = tpu.memref_slice %arg2[%mul3A_2] : memref<16384xi32, #tpu.memory_space<hbm>> -> memref<512xi32, #tpu.memory_space<hbm>>
      tpu.enqueue_dma source(%dma_start3A_8 : memref<512xi32, #tpu.memory_space<hbm>>) target(%arg5 : memref<512xi32, #tpu.memory_space<vmem>>) target_semaphore(%run_scoped3A : memref<!tpu.dma_semaphore, #tpu.memory_space<semaphore_mem>>)
      %dma_wait3A_9 = tpu.memref_slice %arg2[%mul3A_2] : memref<16384xi32, #tpu.memory_space<hbm>> -> memref<512xi32, #tpu.memory_space<hbm>>
      %dma_wait3A_10 = tpu.memref_slice %arg2[%mul3A_2] : memref<16384xi32, #tpu.memory_space<hbm>> -> memref<512xi32, #tpu.memory_space<hbm>>
      tpu.wait_dma2 semaphore(%run_scoped3A : memref<!tpu.dma_semaphore, #tpu.memory_space<semaphore_mem>>) src(%dma_wait3A_10 : memref<512xi32, #tpu.memory_space<hbm>>) dst(%arg5 : memref<512xi32, #tpu.memory_space<vmem>>)
      tpu.yield
    }) : () -> ()
    %dma_start3A = arith.constant 0 : i32
    %dma_start3A_3 = arith.constant 0 : i32
    %dma_start3A_4 = tpu.memref_slice %arg3[%dma_start3A, %dma_start3A_3] : memref<253952x128xf32, #tpu.memory_space<hbm>> -> memref<253952x128xf32, #tpu.memory_space<hbm>>
    tpu.enqueue_indirect_dma source(%dma_start3A_4 : memref<253952x128xf32, #tpu.memory_space<hbm>>) target(%arg6 : memref<512x128xf32, #tpu.memory_space<vmem>>) offsets(%arg5 : memref<512xi32, #tpu.memory_space<vmem>>) semaphore(%arg7 : memref<!tpu.dma_semaphore, #tpu.memory_space<semaphore_mem>>)
    %dma_wait3A = arith.constant 0 : i32
    %dma_wait3A_5 = arith.constant 0 : i32
    %dma_wait3A_6 = tpu.memref_slice %arg3[%dma_wait3A, %dma_wait3A_5] : memref<253952x128xf32, #tpu.memory_space<hbm>> -> memref<253952x128xf32, #tpu.memory_space<hbm>>
    tpu.wait_indirect_dma semaphore(%arg7 : memref<!tpu.dma_semaphore, #tpu.memory_space<semaphore_mem>>) src(%dma_wait3A_6 : memref<253952x128xf32, #tpu.memory_space<hbm>>) dst(%arg6 : memref<512x128xf32, #tpu.memory_space<vmem>>)
    "tpu.region"() ({
      %run_scoped3A = tpu.sem_alloc : memref<!tpu.dma_semaphore, #tpu.memory_space<semaphore_mem>>
      %dma_start3A_7 = arith.constant 0 : i32
      %dma_start3A_8 = tpu.memref_slice %arg4[%mul3A_2, %dma_start3A_7] : memref<16384x128xf32, #tpu.memory_space<hbm>> -> memref<512x128xf32, #tpu.memory_space<hbm>>
      %dma_start3A_9 = arith.constant 0 : i32
      %dma_start3A_10 = tpu.memref_slice %arg4[%mul3A_2, %dma_start3A_9] : memref<16384x128xf32, #tpu.memory_space<hbm>> -> memref<512x128xf32, #tpu.memory_space<hbm>>
      tpu.enqueue_dma source(%arg6 : memref<512x128xf32, #tpu.memory_space<vmem>>) target(%dma_start3A_10 : memref<512x128xf32, #tpu.memory_space<hbm>>) target_semaphore(%run_scoped3A : memref<!tpu.dma_semaphore, #tpu.memory_space<semaphore_mem>>)
      %dma_wait3A_11 = arith.constant 0 : i32
      %dma_wait3A_12 = tpu.memref_slice %arg4[%mul3A_2, %dma_wait3A_11] : memref<16384x128xf32, #tpu.memory_space<hbm>> -> memref<512x128xf32, #tpu.memory_space<hbm>>
      %dma_wait3A_13 = arith.constant 0 : i32
      %dma_wait3A_14 = tpu.memref_slice %arg4[%mul3A_2, %dma_wait3A_13] : memref<16384x128xf32, #tpu.memory_space<hbm>> -> memref<512x128xf32, #tpu.memory_space<hbm>>
      tpu.wait_dma2 semaphore(%run_scoped3A : memref<!tpu.dma_semaphore, #tpu.memory_space<semaphore_mem>>) src(%arg6 : memref<512x128xf32, #tpu.memory_space<vmem>>) dst(%dma_wait3A_14 : memref<512x128xf32, #tpu.memory_space<hbm>>)
      tpu.yield
    }) : () -> ()
    return
  }
}

#map = affine_map<(d0, d1) -> (0)>
#map1 = affine_map<(d0, d1) -> (0, 0)>
module attributes {stable_mosaic.version = 14 : i64} {
  func.func @sc_packed_gather(%arg0: i32, %arg1: i32, %arg2: memref<16384xi32, #tpu.memory_space<hbm>>, %arg3: memref<253952x128xf32, #tpu.memory_space<hbm>>, %arg4: memref<16384x128xf32, #tpu.memory_space<hbm>>, %arg5: memref<512xi32, #tpu.memory_space<vmem>>, %arg6: memref<512x128xf32, #tpu.memory_space<vmem>>, %arg7: memref<!tpu.dma_semaphore, #tpu.memory_space<semaphore_mem>>) attributes {dimension_semantics = [#tpu.dimension_semantics<core_parallel>, #tpu.dimension_semantics<subcore_parallel>], iteration_bounds = array<i64: 2, 16>, scalar_prefetch = 0 : i64, scratch_operands = 3 : i64, tpu.core_type = #tpu.core_type<sc_vector_subcore>, window_params = [{transform_indices = #map}, {transform_indices = #map1}, {transform_indices = #map1}]} {
    %mul3A = arith.constant 2 : i32
    %mul3A_0 = arith.muli %arg1, %mul3A : i32
    %add3A = arith.addi %mul3A_0, %arg0 : i32
    %mul3A_1 = arith.constant 512 : i32
    %mul3A_2 = arith.muli %add3A, %mul3A_1 : i32
    "tpu.region"() ({
      %run_scoped3A = tpu.sem_alloc : memref<!tpu.dma_semaphore, #tpu.memory_space<semaphore_mem>>
      %dma_start3A_7 = tpu.memref_slice %arg2[%mul3A_2] : memref<16384xi32, #tpu.memory_space<hbm>> -> memref<512xi32, #tpu.memory_space<hbm>>
      %dma_start3A_8 = tpu.memref_slice %arg2[%mul3A_2] : memref<16384xi32, #tpu.memory_space<hbm>> -> memref<512xi32, #tpu.memory_space<hbm>>
      tpu.enqueue_dma source(%dma_start3A_8 : memref<512xi32, #tpu.memory_space<hbm>>) target(%arg5 : memref<512xi32, #tpu.memory_space<vmem>>) target_semaphore(%run_scoped3A : memref<!tpu.dma_semaphore, #tpu.memory_space<semaphore_mem>>)
      %dma_wait3A_9 = tpu.memref_slice %arg2[%mul3A_2] : memref<16384xi32, #tpu.memory_space<hbm>> -> memref<512xi32, #tpu.memory_space<hbm>>
      %dma_wait3A_10 = tpu.memref_slice %arg2[%mul3A_2] : memref<16384xi32, #tpu.memory_space<hbm>> -> memref<512xi32, #tpu.memory_space<hbm>>
      tpu.wait_dma2 semaphore(%run_scoped3A : memref<!tpu.dma_semaphore, #tpu.memory_space<semaphore_mem>>) src(%dma_wait3A_10 : memref<512xi32, #tpu.memory_space<hbm>>) dst(%arg5 : memref<512xi32, #tpu.memory_space<vmem>>)
      tpu.yield
    }) : () -> ()
    %dma_start3A = arith.constant 0 : i32
    %dma_start3A_3 = arith.constant 0 : i32
    %dma_start3A_4 = tpu.memref_slice %arg3[%dma_start3A, %dma_start3A_3] : memref<253952x128xf32, #tpu.memory_space<hbm>> -> memref<253952x128xf32, #tpu.memory_space<hbm>>
    tpu.enqueue_indirect_dma source(%dma_start3A_4 : memref<253952x128xf32, #tpu.memory_space<hbm>>) target(%arg6 : memref<512x128xf32, #tpu.memory_space<vmem>>) offsets(%arg5 : memref<512xi32, #tpu.memory_space<vmem>>) semaphore(%arg7 : memref<!tpu.dma_semaphore, #tpu.memory_space<semaphore_mem>>)
    %dma_wait3A = arith.constant 0 : i32
    %dma_wait3A_5 = arith.constant 0 : i32
    %dma_wait3A_6 = tpu.memref_slice %arg3[%dma_wait3A, %dma_wait3A_5] : memref<253952x128xf32, #tpu.memory_space<hbm>> -> memref<253952x128xf32, #tpu.memory_space<hbm>>
    tpu.wait_indirect_dma semaphore(%arg7 : memref<!tpu.dma_semaphore, #tpu.memory_space<semaphore_mem>>) src(%dma_wait3A_6 : memref<253952x128xf32, #tpu.memory_space<hbm>>) dst(%arg6 : memref<512x128xf32, #tpu.memory_space<vmem>>)
    "tpu.region"() ({
      %run_scoped3A = tpu.sem_alloc : memref<!tpu.dma_semaphore, #tpu.memory_space<semaphore_mem>>
      %dma_start3A_7 = arith.constant 0 : i32
      %dma_start3A_8 = tpu.memref_slice %arg4[%mul3A_2, %dma_start3A_7] : memref<16384x128xf32, #tpu.memory_space<hbm>> -> memref<512x128xf32, #tpu.memory_space<hbm>>
      %dma_start3A_9 = arith.constant 0 : i32
      %dma_start3A_10 = tpu.memref_slice %arg4[%mul3A_2, %dma_start3A_9] : memref<16384x128xf32, #tpu.memory_space<hbm>> -> memref<512x128xf32, #tpu.memory_space<hbm>>
      tpu.enqueue_dma source(%arg6 : memref<512x128xf32, #tpu.memory_space<vmem>>) target(%dma_start3A_10 : memref<512x128xf32, #tpu.memory_space<hbm>>) target_semaphore(%run_scoped3A : memref<!tpu.dma_semaphore, #tpu.memory_space<semaphore_mem>>)
      %dma_wait3A_11 = arith.constant 0 : i32
      %dma_wait3A_12 = tpu.memref_slice %arg4[%mul3A_2, %dma_wait3A_11] : memref<16384x128xf32, #tpu.memory_space<hbm>> -> memref<512x128xf32, #tpu.memory_space<hbm>>
      %dma_wait3A_13 = arith.constant 0 : i32
      %dma_wait3A_14 = tpu.memref_slice %arg4[%mul3A_2, %dma_wait3A_13] : memref<16384x128xf32, #tpu.memory_space<hbm>> -> memref<512x128xf32, #tpu.memory_space<hbm>>
      tpu.wait_dma2 semaphore(%run_scoped3A : memref<!tpu.dma_semaphore, #tpu.memory_space<semaphore_mem>>) src(%arg6 : memref<512x128xf32, #tpu.memory_space<vmem>>) dst(%dma_wait3A_14 : memref<512x128xf32, #tpu.memory_space<hbm>>)
      tpu.yield
    }) : () -> ()
    return
  }
}

module attributes {stable_mosaic.version = 14 : i64} {
  func.func @_tc_dense_body(%arg0: i32, %arg1: memref<2048x128xf32, #tpu.memory_space<vmem>>, %arg2: memref<2048x128xf32, #tpu.memory_space<vmem>>, %arg3: memref<2048x1xi32, #tpu.memory_space<vmem>>, %arg4: memref<2048x1xi32, #tpu.memory_space<vmem>>, %arg5: memref<32x32xf32, #tpu.memory_space<vmem>>, %arg6: memref<1x32xf32, #tpu.memory_space<vmem>>, %arg7: memref<32x32xf32, #tpu.memory_space<vmem>>, %arg8: memref<1x32xf32, #tpu.memory_space<vmem>>, %arg9: memref<2048x1xf32, #tpu.memory_space<vmem>>) attributes {dimension_semantics = [#tpu.dimension_semantics<arbitrary>], iteration_bounds = array<i64: 8>, scalar_prefetch = 0 : i64, scratch_operands = 0 : i64, tpu.core_type = #tpu.core_type<tc>, window_params = [{transform_indices = @transform_0, window_bounds = array<i64: 2048, 128>}, {transform_indices = @transform_1, window_bounds = array<i64: 2048, 128>}, {transform_indices = @transform_2, window_bounds = array<i64: 2048, 1>}, {transform_indices = @transform_3, window_bounds = array<i64: 2048, 1>}, {pipeline_mode = #tpu.pipeline_mode<synchronous>, transform_indices = @transform_4, window_bounds = array<i64: 32, 32>}, {pipeline_mode = #tpu.pipeline_mode<synchronous>, transform_indices = @transform_5, window_bounds = array<i64: 1, 32>}, {pipeline_mode = #tpu.pipeline_mode<synchronous>, transform_indices = @transform_6, window_bounds = array<i64: 32, 32>}, {pipeline_mode = #tpu.pipeline_mode<synchronous>, transform_indices = @transform_7, window_bounds = array<i64: 1, 32>}, {transform_indices = @transform_8, window_bounds = array<i64: 2048, 1>}]} {
    %get3A = arith.constant 0 : index
    %get3A_0 = arith.constant 0 : index
    %get3A_1 = vector.load %arg1[%get3A, %get3A_0] : memref<2048x128xf32, #tpu.memory_space<vmem>>, vector<2048x128xf32>
    %get3A_2 = arith.constant 0 : index
    %get3A_3 = arith.constant 0 : index
    %get3A_4 = vector.load %arg3[%get3A_2, %get3A_3] : memref<2048x1xi32, #tpu.memory_space<vmem>>, vector<2048x1xi32>
    %broadcast_in_dim3A = arith.constant 0.000000e+00 : f32
    %broadcast_in_dim3A_5 = vector.broadcast %broadcast_in_dim3A : f32 to vector<2048x32xf32>
    %eq3A = arith.constant 0 : i32
    %eq3A_6 = vector.broadcast %eq3A : i32 to vector<2048x1xi32>
    %eq3A_7 = arith.cmpi eq, %get3A_4, %eq3A_6 : vector<2048x1xi32>
    %convert_element_type3A = arith.extui %eq3A_7 : vector<2048x1xi1> to vector<2048x1xi32>
    %convert_element_type3A_8 = arith.sitofp %convert_element_type3A : vector<2048x1xi32> to vector<2048x1xf32>
    %slice3A = vector.extract_strided_slice %get3A_1 {offsets = [0, 0], sizes = [2048, 32], strides = [1, 1]} : vector<2048x128xf32> to vector<2048x32xf32>
    %mul3A = vector.broadcast %convert_element_type3A_8 : vector<2048x1xf32> to vector<2048x32xf32>
    %mul3A_9 = arith.mulf %slice3A, %mul3A : vector<2048x32xf32>
    %add3A = arith.addf %broadcast_in_dim3A_5, %mul3A_9 : vector<2048x32xf32>
    %eq3A_10 = arith.constant 1 : i32
    %eq3A_11 = vector.broadcast %eq3A_10 : i32 to vector<2048x1xi32>
    %eq3A_12 = arith.cmpi eq, %get3A_4, %eq3A_11 : vector<2048x1xi32>
    %convert_element_type3A_13 = arith.extui %eq3A_12 : vector<2048x1xi1> to vector<2048x1xi32>
    %convert_element_type3A_14 = arith.sitofp %convert_element_type3A_13 : vector<2048x1xi32> to vector<2048x1xf32>
    %slice3A_15 = vector.extract_strided_slice %get3A_1 {offsets = [0, 32], sizes = [2048, 32], strides = [1, 1]} : vector<2048x128xf32> to vector<2048x32xf32>
    %mul3A_16 = vector.broadcast %convert_element_type3A_14 : vector<2048x1xf32> to vector<2048x32xf32>
    %mul3A_17 = arith.mulf %slice3A_15, %mul3A_16 : vector<2048x32xf32>
    %add3A_18 = arith.addf %add3A, %mul3A_17 : vector<2048x32xf32>
    %eq3A_19 = arith.constant 2 : i32
    %eq3A_20 = vector.broadcast %eq3A_19 : i32 to vector<2048x1xi32>
    %eq3A_21 = arith.cmpi eq, %get3A_4, %eq3A_20 : vector<2048x1xi32>
    %convert_element_type3A_22 = arith.extui %eq3A_21 : vector<2048x1xi1> to vector<2048x1xi32>
    %convert_element_type3A_23 = arith.sitofp %convert_element_type3A_22 : vector<2048x1xi32> to vector<2048x1xf32>
    %slice3A_24 = vector.extract_strided_slice %get3A_1 {offsets = [0, 64], sizes = [2048, 32], strides = [1, 1]} : vector<2048x128xf32> to vector<2048x32xf32>
    %mul3A_25 = vector.broadcast %convert_element_type3A_23 : vector<2048x1xf32> to vector<2048x32xf32>
    %mul3A_26 = arith.mulf %slice3A_24, %mul3A_25 : vector<2048x32xf32>
    %add3A_27 = arith.addf %add3A_18, %mul3A_26 : vector<2048x32xf32>
    %eq3A_28 = arith.constant 3 : i32
    %eq3A_29 = vector.broadcast %eq3A_28 : i32 to vector<2048x1xi32>
    %eq3A_30 = arith.cmpi eq, %get3A_4, %eq3A_29 : vector<2048x1xi32>
    %convert_element_type3A_31 = arith.extui %eq3A_30 : vector<2048x1xi1> to vector<2048x1xi32>
    %convert_element_type3A_32 = arith.sitofp %convert_element_type3A_31 : vector<2048x1xi32> to vector<2048x1xf32>
    %slice3A_33 = vector.extract_strided_slice %get3A_1 {offsets = [0, 96], sizes = [2048, 32], strides = [1, 1]} : vector<2048x128xf32> to vector<2048x32xf32>
    %mul3A_34 = vector.broadcast %convert_element_type3A_32 : vector<2048x1xf32> to vector<2048x32xf32>
    %mul3A_35 = arith.mulf %slice3A_33, %mul3A_34 : vector<2048x32xf32>
    %add3A_36 = arith.addf %add3A_27, %mul3A_35 : vector<2048x32xf32>
    %get3A_37 = arith.constant 0 : index
    %get3A_38 = arith.constant 0 : index
    %get3A_39 = vector.load %arg2[%get3A_37, %get3A_38] : memref<2048x128xf32, #tpu.memory_space<vmem>>, vector<2048x128xf32>
    %get3A_40 = arith.constant 0 : index
    %get3A_41 = arith.constant 0 : index
    %get3A_42 = vector.load %arg4[%get3A_40, %get3A_41] : memref<2048x1xi32, #tpu.memory_space<vmem>>, vector<2048x1xi32>
    %broadcast_in_dim3A_43 = arith.constant 0.000000e+00 : f32
    %broadcast_in_dim3A_44 = vector.broadcast %broadcast_in_dim3A_43 : f32 to vector<2048x32xf32>
    %eq3A_45 = arith.constant 0 : i32
    %eq3A_46 = vector.broadcast %eq3A_45 : i32 to vector<2048x1xi32>
    %eq3A_47 = arith.cmpi eq, %get3A_42, %eq3A_46 : vector<2048x1xi32>
    %convert_element_type3A_48 = arith.extui %eq3A_47 : vector<2048x1xi1> to vector<2048x1xi32>
    %convert_element_type3A_49 = arith.sitofp %convert_element_type3A_48 : vector<2048x1xi32> to vector<2048x1xf32>
    %slice3A_50 = vector.extract_strided_slice %get3A_39 {offsets = [0, 0], sizes = [2048, 32], strides = [1, 1]} : vector<2048x128xf32> to vector<2048x32xf32>
    %mul3A_51 = vector.broadcast %convert_element_type3A_49 : vector<2048x1xf32> to vector<2048x32xf32>
    %mul3A_52 = arith.mulf %slice3A_50, %mul3A_51 : vector<2048x32xf32>
    %add3A_53 = arith.addf %broadcast_in_dim3A_44, %mul3A_52 : vector<2048x32xf32>
    %eq3A_54 = arith.constant 1 : i32
    %eq3A_55 = vector.broadcast %eq3A_54 : i32 to vector<2048x1xi32>
    %eq3A_56 = arith.cmpi eq, %get3A_42, %eq3A_55 : vector<2048x1xi32>
    %convert_element_type3A_57 = arith.extui %eq3A_56 : vector<2048x1xi1> to vector<2048x1xi32>
    %convert_element_type3A_58 = arith.sitofp %convert_element_type3A_57 : vector<2048x1xi32> to vector<2048x1xf32>
    %slice3A_59 = vector.extract_strided_slice %get3A_39 {offsets = [0, 32], sizes = [2048, 32], strides = [1, 1]} : vector<2048x128xf32> to vector<2048x32xf32>
    %mul3A_60 = vector.broadcast %convert_element_type3A_58 : vector<2048x1xf32> to vector<2048x32xf32>
    %mul3A_61 = arith.mulf %slice3A_59, %mul3A_60 : vector<2048x32xf32>
    %add3A_62 = arith.addf %add3A_53, %mul3A_61 : vector<2048x32xf32>
    %eq3A_63 = arith.constant 2 : i32
    %eq3A_64 = vector.broadcast %eq3A_63 : i32 to vector<2048x1xi32>
    %eq3A_65 = arith.cmpi eq, %get3A_42, %eq3A_64 : vector<2048x1xi32>
    %convert_element_type3A_66 = arith.extui %eq3A_65 : vector<2048x1xi1> to vector<2048x1xi32>
    %convert_element_type3A_67 = arith.sitofp %convert_element_type3A_66 : vector<2048x1xi32> to vector<2048x1xf32>
    %slice3A_68 = vector.extract_strided_slice %get3A_39 {offsets = [0, 64], sizes = [2048, 32], strides = [1, 1]} : vector<2048x128xf32> to vector<2048x32xf32>
    %mul3A_69 = vector.broadcast %convert_element_type3A_67 : vector<2048x1xf32> to vector<2048x32xf32>
    %mul3A_70 = arith.mulf %slice3A_68, %mul3A_69 : vector<2048x32xf32>
    %add3A_71 = arith.addf %add3A_62, %mul3A_70 : vector<2048x32xf32>
    %eq3A_72 = arith.constant 3 : i32
    %eq3A_73 = vector.broadcast %eq3A_72 : i32 to vector<2048x1xi32>
    %eq3A_74 = arith.cmpi eq, %get3A_42, %eq3A_73 : vector<2048x1xi32>
    %convert_element_type3A_75 = arith.extui %eq3A_74 : vector<2048x1xi1> to vector<2048x1xi32>
    %convert_element_type3A_76 = arith.sitofp %convert_element_type3A_75 : vector<2048x1xi32> to vector<2048x1xf32>
    %slice3A_77 = vector.extract_strided_slice %get3A_39 {offsets = [0, 96], sizes = [2048, 32], strides = [1, 1]} : vector<2048x128xf32> to vector<2048x32xf32>
    %mul3A_78 = vector.broadcast %convert_element_type3A_76 : vector<2048x1xf32> to vector<2048x32xf32>
    %mul3A_79 = arith.mulf %slice3A_77, %mul3A_78 : vector<2048x32xf32>
    %add3A_80 = arith.addf %add3A_71, %mul3A_79 : vector<2048x32xf32>
    %get3A_81 = arith.constant 0 : index
    %get3A_82 = arith.constant 0 : index
    %get3A_83 = vector.load %arg5[%get3A_81, %get3A_82] : memref<32x32xf32, #tpu.memory_space<vmem>>, vector<32x32xf32>
    %dot_general3A = arith.constant dense<0.000000e+00> : vector<2048x32xf32>
    %dot_general3A_84 = tpu.matmul %add3A_36, %get3A_83, %dot_general3A {dimension_numbers = #tpu.dot_dimension_numbers<[1], [0], [0], [1], [0, 0, 1, 1], [], []>, transpose_lhs_hint = false} : vector<2048x32xf32>, vector<32x32xf32>, vector<2048x32xf32> -> vector<2048x32xf32>
    %get3A_85 = arith.constant 0 : index
    %get3A_86 = arith.constant 0 : index
    %get3A_87 = vector.load %arg7[%get3A_85, %get3A_86] : memref<32x32xf32, #tpu.memory_space<vmem>>, vector<32x32xf32>
    %dot_general3A_88 = arith.constant dense<0.000000e+00> : vector<2048x32xf32>
    %dot_general3A_89 = tpu.matmul %add3A_80, %get3A_87, %dot_general3A_88 {dimension_numbers = #tpu.dot_dimension_numbers<[1], [0], [0], [1], [0, 0, 1, 1], [], []>, transpose_lhs_hint = false} : vector<2048x32xf32>, vector<32x32xf32>, vector<2048x32xf32> -> vector<2048x32xf32>
    %get3A_90 = arith.constant 0 : index
    %get3A_91 = arith.constant 0 : index
    %get3A_92 = vector.load %arg6[%get3A_90, %get3A_91] : memref<1x32xf32, #tpu.memory_space<vmem>>, vector<1x32xf32>
    %add3A_93 = vector.broadcast %get3A_92 : vector<1x32xf32> to vector<2048x32xf32>
    %add3A_94 = arith.addf %dot_general3A_84, %add3A_93 : vector<2048x32xf32>
    %max3A = arith.constant 0.000000e+00 : f32
    %max3A_95 = vector.broadcast %max3A : f32 to vector<2048x32xf32>
    %max3A_96 = arith.maximumf %add3A_94, %max3A_95 : vector<2048x32xf32>
    %get3A_97 = arith.constant 0 : index
    %get3A_98 = arith.constant 0 : index
    %get3A_99 = vector.load %arg8[%get3A_97, %get3A_98] : memref<1x32xf32, #tpu.memory_space<vmem>>, vector<1x32xf32>
    %add3A_100 = vector.broadcast %get3A_99 : vector<1x32xf32> to vector<2048x32xf32>
    %add3A_101 = arith.addf %dot_general3A_89, %add3A_100 : vector<2048x32xf32>
    %max3A_102 = arith.constant 0.000000e+00 : f32
    %max3A_103 = vector.broadcast %max3A_102 : f32 to vector<2048x32xf32>
    %max3A_104 = arith.maximumf %add3A_101, %max3A_103 : vector<2048x32xf32>
    %mul3A_105 = arith.mulf %max3A_96, %max3A_104 : vector<2048x32xf32>
    %reduce_sum3A = arith.constant dense<0.000000e+00> : vector<2048xf32>
    %reduce_sum3A_106 = vector.multi_reduction <add>, %mul3A_105, %reduce_sum3A [1] : vector<2048x32xf32> to vector<2048xf32>
    %broadcast_in_dim3A_107 = vector.shape_cast %reduce_sum3A_106 : vector<2048xf32> to vector<2048x1xf32>
    %swap3A = arith.constant 0 : index
    %swap3A_108 = arith.constant 0 : index
    %swap3A_109 = vector.load %arg9[%swap3A, %swap3A_108] : memref<2048x1xf32, #tpu.memory_space<vmem>>, vector<2048x1xf32>
    tpu.vector_store %arg9[%swap3A, %swap3A_108], %broadcast_in_dim3A_107 {strides = array<i32>} : memref<2048x1xf32, #tpu.memory_space<vmem>>, vector<2048x1xf32>,
    return
  }
  func.func @transform_0(%arg0: i32) -> (i32, i32) {
    %c0_i32 = arith.constant 0 : i32
    %c0_i32_0 = arith.constant 0 : i32
    return %arg0, %c0_i32 : i32, i32
  }
  func.func @transform_1(%arg0: i32) -> (i32, i32) {
    %c0_i32 = arith.constant 0 : i32
    %c0_i32_0 = arith.constant 0 : i32
    return %arg0, %c0_i32 : i32, i32
  }
  func.func @transform_2(%arg0: i32) -> (i32, i32) {
    %c0_i32 = arith.constant 0 : i32
    %c0_i32_0 = arith.constant 0 : i32
    return %arg0, %c0_i32 : i32, i32
  }
  func.func @transform_3(%arg0: i32) -> (i32, i32) {
    %c0_i32 = arith.constant 0 : i32
    %c0_i32_0 = arith.constant 0 : i32
    return %arg0, %c0_i32 : i32, i32
  }
  func.func @transform_4(%arg0: i32) -> (i32, i32) {
    %c0_i32 = arith.constant 0 : i32
    %c0_i32_0 = arith.constant 0 : i32
    %c0_i32_1 = arith.constant 0 : i32
    return %c0_i32, %c0_i32_0 : i32, i32
  }
  func.func @transform_5(%arg0: i32) -> (i32, i32) {
    %c0_i32 = arith.constant 0 : i32
    %c0_i32_0 = arith.constant 0 : i32
    %c0_i32_1 = arith.constant 0 : i32
    return %c0_i32, %c0_i32_0 : i32, i32
  }
  func.func @transform_6(%arg0: i32) -> (i32, i32) {
    %c0_i32 = arith.constant 0 : i32
    %c0_i32_0 = arith.constant 0 : i32
    %c0_i32_1 = arith.constant 0 : i32
    return %c0_i32, %c0_i32_0 : i32, i32
  }
  func.func @transform_7(%arg0: i32) -> (i32, i32) {
    %c0_i32 = arith.constant 0 : i32
    %c0_i32_0 = arith.constant 0 : i32
    %c0_i32_1 = arith.constant 0 : i32
    return %c0_i32, %c0_i32_0 : i32, i32
  }
  func.func @transform_8(%arg0: i32) -> (i32, i32) {
    %c0_i32 = arith.constant 0 : i32
    %c0_i32_0 = arith.constant 0 : i32
    return %arg0, %c0_i32 : i32, i32
  }
}

module attributes {stable_mosaic.version = 14 : i64} {
  func.func @_tc_pack_body(%arg0: i32, %arg1: memref<32x32768xf32, #tpu.memory_space<vmem>>, %arg2: memref<8192x128xf32, #tpu.memory_space<vmem>>) attributes {dimension_semantics = [#tpu.dimension_semantics<arbitrary>], iteration_bounds = array<i64: 31>, scalar_prefetch = 0 : i64, scratch_operands = 0 : i64, tpu.core_type = #tpu.core_type<tc>, window_params = [{transform_indices = @transform_0, window_bounds = array<i64: 32, 32768>}, {transform_indices = @transform_1, window_bounds = array<i64: 8192, 128>}]} {
    %iota3A = tpu.iota {dimensions = array<i32: 1>} : vector<32x128xi32>
    %iota3A_0 = tpu.iota {dimensions = array<i32: 0>} : vector<32x128xi32>
    %add3A = arith.constant 0 : i32
    %add3A_1 = vector.broadcast %add3A : i32 to vector<32x128xi32>
    %add3A_2 = arith.addi %iota3A_0, %add3A_1 : vector<32x128xi32>
    %eq3A = arith.cmpi eq, %iota3A, %add3A_2 : vector<32x128xi32>
    %convert_element_type3A = arith.extui %eq3A : vector<32x128xi1> to vector<32x128xi32>
    %convert_element_type3A_3 = arith.sitofp %convert_element_type3A : vector<32x128xi32> to vector<32x128xf32>
    %get3A = arith.constant 0 : index
    %get3A_4 = arith.constant 0 : index
    %get3A_5 = vector.load %arg1[%get3A, %get3A_4] : memref<32x32768xf32, #tpu.memory_space<vmem>>, vector<32x8192xf32>
    %dot_general3A = arith.constant dense<0.000000e+00> : vector<8192x128xf32>
    %dot_general3A_6 = tpu.matmul %get3A_5, %convert_element_type3A_3, %dot_general3A {dimension_numbers = #tpu.dot_dimension_numbers<[0], [0], [1], [1], [0, 1, 1, 1], [], []>, transpose_lhs_hint = false} : vector<32x8192xf32>, vector<32x128xf32>, vector<8192x128xf32> -> vector<8192x128xf32>
    %add3A_7 = arith.constant 32 : i32
    %add3A_8 = vector.broadcast %add3A_7 : i32 to vector<32x128xi32>
    %add3A_9 = arith.addi %iota3A_0, %add3A_8 : vector<32x128xi32>
    %eq3A_10 = arith.cmpi eq, %iota3A, %add3A_9 : vector<32x128xi32>
    %convert_element_type3A_11 = arith.extui %eq3A_10 : vector<32x128xi1> to vector<32x128xi32>
    %convert_element_type3A_12 = arith.sitofp %convert_element_type3A_11 : vector<32x128xi32> to vector<32x128xf32>
    %get3A_13 = arith.constant 0 : index
    %get3A_14 = arith.constant 8192 : index
    %get3A_15 = vector.load %arg1[%get3A_13, %get3A_14] : memref<32x32768xf32, #tpu.memory_space<vmem>>, vector<32x8192xf32>
    %dot_general3A_16 = arith.constant dense<0.000000e+00> : vector<8192x128xf32>
    %dot_general3A_17 = tpu.matmul %get3A_15, %convert_element_type3A_12, %dot_general3A_16 {dimension_numbers = #tpu.dot_dimension_numbers<[0], [0], [1], [1], [0, 1, 1, 1], [], []>, transpose_lhs_hint = false} : vector<32x8192xf32>, vector<32x128xf32>, vector<8192x128xf32> -> vector<8192x128xf32>
    %add3A_18 = arith.addf %dot_general3A_6, %dot_general3A_17 : vector<8192x128xf32>
    %add3A_19 = arith.constant 64 : i32
    %add3A_20 = vector.broadcast %add3A_19 : i32 to vector<32x128xi32>
    %add3A_21 = arith.addi %iota3A_0, %add3A_20 : vector<32x128xi32>
    %eq3A_22 = arith.cmpi eq, %iota3A, %add3A_21 : vector<32x128xi32>
    %convert_element_type3A_23 = arith.extui %eq3A_22 : vector<32x128xi1> to vector<32x128xi32>
    %convert_element_type3A_24 = arith.sitofp %convert_element_type3A_23 : vector<32x128xi32> to vector<32x128xf32>
    %get3A_25 = arith.constant 0 : index
    %get3A_26 = arith.constant 16384 : index
    %get3A_27 = vector.load %arg1[%get3A_25, %get3A_26] : memref<32x32768xf32, #tpu.memory_space<vmem>>, vector<32x8192xf32>
    %dot_general3A_28 = arith.constant dense<0.000000e+00> : vector<8192x128xf32>
    %dot_general3A_29 = tpu.matmul %get3A_27, %convert_element_type3A_24, %dot_general3A_28 {dimension_numbers = #tpu.dot_dimension_numbers<[0], [0], [1], [1], [0, 1, 1, 1], [], []>, transpose_lhs_hint = false} : vector<32x8192xf32>, vector<32x128xf32>, vector<8192x128xf32> -> vector<8192x128xf32>
    %add3A_30 = arith.addf %add3A_18, %dot_general3A_29 : vector<8192x128xf32>
    %add3A_31 = arith.constant 96 : i32
    %add3A_32 = vector.broadcast %add3A_31 : i32 to vector<32x128xi32>
    %add3A_33 = arith.addi %iota3A_0, %add3A_32 : vector<32x128xi32>
    %eq3A_34 = arith.cmpi eq, %iota3A, %add3A_33 : vector<32x128xi32>
    %convert_element_type3A_35 = arith.extui %eq3A_34 : vector<32x128xi1> to vector<32x128xi32>
    %convert_element_type3A_36 = arith.sitofp %convert_element_type3A_35 : vector<32x128xi32> to vector<32x128xf32>
    %get3A_37 = arith.constant 0 : index
    %get3A_38 = arith.constant 24576 : index
    %get3A_39 = vector.load %arg1[%get3A_37, %get3A_38] : memref<32x32768xf32, #tpu.memory_space<vmem>>, vector<32x8192xf32>
    %dot_general3A_40 = arith.constant dense<0.000000e+00> : vector<8192x128xf32>
    %dot_general3A_41 = tpu.matmul %get3A_39, %convert_element_type3A_36, %dot_general3A_40 {dimension_numbers = #tpu.dot_dimension_numbers<[0], [0], [1], [1], [0, 1, 1, 1], [], []>, transpose_lhs_hint = false} : vector<32x8192xf32>, vector<32x128xf32>, vector<8192x128xf32> -> vector<8192x128xf32>
    %add3A_42 = arith.addf %add3A_30, %dot_general3A_41 : vector<8192x128xf32>
    %swap3A = arith.constant 0 : index
    %swap3A_43 = arith.constant 0 : index
    %swap3A_44 = vector.load %arg2[%swap3A, %swap3A_43] : memref<8192x128xf32, #tpu.memory_space<vmem>>, vector<8192x128xf32>
    tpu.vector_store %arg2[%swap3A, %swap3A_43], %add3A_42 {strides = array<i32>} : memref<8192x128xf32, #tpu.memory_space<vmem>>, vector<8192x128xf32>,
    return
  }
  func.func @transform_0(%arg0: i32) -> (i32, i32) {
    %c0_i32 = arith.constant 0 : i32
    %c0_i32_0 = arith.constant 0 : i32
    return %c0_i32, %arg0 : i32, i32
  }
  func.func @transform_1(%arg0: i32) -> (i32, i32) {
    %c0_i32 = arith.constant 0 : i32
    %c0_i32_0 = arith.constant 0 : i32
    return %arg0, %c0_i32 : i32, i32
  }
}

</mosaic_0001>

<sc_bundles>
// kernel: sc_packed_gather.4.cloned.1.call-start
scs
__scs_entry_jumppad:
0x0: {  	(pc) =	sbr.rel $0x88, $3  }
0x1: {  	(tag) =	ssettag $0x0;
	lr =	simm.s32 $0x1  }
0x2: {  	[smem:$0x3F99] =	sst lr;
	_ =	strace $0xD0000000  }
0x3: {  	_ = 	snop  }
0x4: {  	_ = 	snop  }
0x5: {  	_ = 	snop  }
0x6: {  	_ = 	snop  }
0x7: {  	_ = 	snop  }
__scs_overlays_trampoline_lowered:
0x8: {  	[smem:$0x3FA8] =	sst s0  }
0x9: {  	[smem:$0x3FA9] =	sst s1  }
0xa: {  	[smem:$0x3FAA] =	sst s2  }
0xb: {  	[smem:$0x3FAB] =	sst s3  }
0xc: {  	[smem:$0x3FAC] =	sst s4  }
0xd: {  	[smem:$0x3FAD] =	sst s5  }
0xe: {  	[smem:$0x3FAE] =	sst s6  }
0xf: {  	[smem:$0x3FAF] =	sst s7  }
0x10: {  	[smem:$0x3FB0] =	sst s8  }
0x11: {  	[smem:$0x3FB1] =	sst s9;
	s0 =	simm.s32 @!p0 $0x0  }
0x12: {  	s1 =	sld [smem:$0x3F97];
	s0 =	simm.s32 @p0 $0x1  }
0x13: {  	[smem:$0x3FB2] =	sst s0;
	s0 =	simm.s32 @!p1 $0x0  }
0x14: {  	s2 =	sld [smem:$0x3F96];
	s0 =	simm.s32 @p1 $0x1  }
0x15: {  	[smem:$0x3FB3] =	sst s0;
	s0 =	simm.s32 @!p2 $0x0  }
0x16: {  	s3 =	sld [smem:$0x3FDB];
	s0 =	simm.s32 @p2 $0x1  }
0x17: {  	s4 =	simm.s32 $0x1BF5;
	[smem:$0x3FB5] =	sst s0  }
0x18: {  	s0 =	sld [smem:$0x3F98];
	_ =	swait.ge [sflag:s4], $0x0  }
0x19: {  	s7 =	sld [smem:$0x3F99]  }
0x1a: {  	s8 =	sadd.s32 $0xFFFFE003, lr  }
0x1b: {  	s9 =	sadd.s32 $0xFFFFFEF7, lr;
	s5 =	simm.s32 $0xFFFFFFFF;
	p2 =	slt.u32 s8, $0xFFFFF086  }
0x1c: {  	p1 =	slt.u32 s9, $0xF7A;
	s5 =	simm.s32 @!p2 $0x0  }
0x1d: {  	s5 =	simm.s32 @p1 $0x1;
	p0 =	seq.s32 s7, s2  }
0x1e: {  	s7 =	smul.u32 @!p0 $0xF7A, s2;
	p2 =	seq.s32 @!p0 s5, $0x0  }
0x1f: {  	s9 =	smul.u32 $0xF7A, s1;
	s8 =	simm.s32 @!p0 $0x1BF5;
	p2 =	por !p2, p0  }
0x20: {  	[sflag:s8] =	ssyncset.s32 @!p0 $0xFFFFF086;
	s6 =	sadd.s32 @!p0 s3, s7;
	s7 =	simm.s32 @!p0 $0x108  }
0x21: {  	s3 =	sadd.s32 s3, s9;
	s6 =	sadd.s32 @!p0 $0x88, s6;
	s7 =	simm.s32 @p2 $0x1082  }
0x22: {  	[simem:s7], [sflag:s8] =	dma.local @!p0 [hbm:s6], $0xF7A  }
0x23: {  	s9 =	sor.u32 $0xD0000000, s2;
	s6 =	simm.s32 $0x108;
	_ =	swait.ge @!p0 [sflag:s8], $0x0  }
0x24: {  	s3 =	sadd.s32 $0x88, s3;
	s6 =	simm.s32 @!p1 $0x1082;
	[sflag:s4] =	ssyncset.s32 $0xFFFFF086  }
0x25: {  	[simem:s6], [sflag:s4] =	dma.local [hbm:s3], $0xF7A  }
0x26: {  	[smem:$0x3F99] =	sst s1;
	(tag) =	ssettag s2;
	_ =	strace s9  }
0x27: {  	s1 =	sld [smem:$0x3FA9]  }
0x28: {  	s2 =	sld [smem:$0x3FAA]  }
0x29: {  	s4 =	sld [smem:$0x3FAC]  }
0x2a: {  	p0 =	seq.s32 s5, $0x0;
	s5 =	sld [smem:$0x3FAD]  }
0x2b: {  	s6 =	sld [smem:$0x3FAE]  }
0x2c: {  	s7 =	sld [smem:$0x3FAF]  }
0x2d: {  	s3 =	simm.s32 $0x108;
	s8 =	sld [smem:$0x3FB0]  }
0x2e: {  	s3 =	simm.s32 @!p0 $0x1082;
	s9 =	sld [smem:$0x3FB1]  }
0x2f: {  	lr =	sadd.s32 s0, s3;
	s0 =	sld [smem:$0x3FA8]  }
0x30: {  	s3 =	sld [smem:$0x3FAB]  }
0x31: {  	[smem:$0x3FB4] =	sst s10  }
0x32: {  	s10 =	sld [smem:$0x3FB2];
	_ =	sdelay $0x3  }
0x33: {  	p0 =	seq.s32 s10, $0x1;
	s10 =	sld [smem:$0x3FB4];
	_ =	sdelay $0x3  }
0x34: {  	[smem:$0x3FB4] =	sst s10  }
0x35: {  	s10 =	sld [smem:$0x3FB3];
	_ =	sdelay $0x3  }
0x36: {  	p1 =	seq.s32 s10, $0x1;
	s10 =	sld [smem:$0x3FB4];
	_ =	sdelay $0x3  }
0x37: {  	[smem:$0x3FB4] =	sst s10  }
0x38: {  	s10 =	sld [smem:$0x3FB5]  }
0x39: {  	_ = 	snop;
	(pc) =	sbr.ind lr, $3  }
0x3a: {  	_ = 	snop  }
0x3b: {  	_ = 	snop  }
0x3c: {  	p2 =	seq.s32 s10, $0x1;
	s10 =	sld [smem:$0x3FB4]  }
0x3d: {  	_ =	shalt  }
0x3e: {  	_ =	shalt  }
0x3f: {  	_ =	shalt  }
0x40: {  	_ =	shalt  }
0x41: {  	_ =	shalt  }
0x42: {  	_ =	shalt  }
0x43: {  	_ =	shalt  }
0x44: {  	_ =	shalt  }
0x45: {  	_ =	shalt  }
0x46: {  	_ =	shalt  }
0x47: {  	_ =	shalt  }
0x48: {  	_ =	shalt  }
0x49: {  	_ =	shalt  }
0x4a: {  	_ =	shalt  }
0x4b: {  	_ =	shalt  }
0x4c: {  	_ =	shalt  }
0x4d: {  	_ =	shalt  }
0x4e: {  	_ =	shalt  }
0x4f: {  	_ =	shalt  }
0x50: {  	_ =	shalt  }
0x51: {  	_ =	shalt  }
0x52: {  	_ =	shalt  }
0x53: {  	_ =	shalt  }
0x54: {  	_ =	shalt  }
0x55: {  	_ =	shalt  }
0x56: {  	_ =	shalt  }
0x57: {  	_ =	shalt  }
0x58: {  	_ =	shalt  }
0x59: {  	_ =	shalt  }
0x5a: {  	_ =	shalt  }
0x5b: {  	_ =	shalt  }
0x5c: {  	_ =	shalt  }
0x5d: {  	_ =	shalt  }
0x5e: {  	_ =	shalt  }
0x5f: {  	_ =	shalt  }
0x60: {  	_ =	shalt  }
0x61: {  	_ =	shalt  }
0x62: {  	_ =	shalt  }
0x63: {  	_ =	shalt  }
0x64: {  	_ =	shalt  }
0x65: {  	_ =	shalt  }
0x66: {  	_ =	shalt  }
0x67: {  	_ =	shalt  }
0x68: {  	_ =	shalt  }
0x69: {  	_ =	shalt  }
0x6a: {  	_ =	shalt  }
0x6b: {  	_ =	shalt  }
0x6c: {  	_ =	shalt  }
0x6d: {  	_ =	shalt  }
0x6e: {  	_ =	shalt  }
0x6f: {  	_ =	shalt  }
0x70: {  	_ =	shalt  }
0x71: {  	_ =	shalt  }
0x72: {  	_ =	shalt  }
0x73: {  	_ =	shalt  }
0x74: {  	_ =	shalt  }
0x75: {  	_ =	shalt  }
0x76: {  	_ =	shalt  }
0x77: {  	_ =	shalt  }
0x78: {  	_ =	shalt  }
0x79: {  	_ =	shalt  }
0x7a: {  	_ =	shalt  }
0x7b: {  	_ =	shalt  }
0x7c: {  	_ =	shalt  }
0x7d: {  	_ =	shalt  }
0x7e: {  	_ =	shalt  }
0x7f: {  	_ =	shalt  }
0x80: {  	_ =	shalt  }
0x81: {  	_ =	shalt  }
0x82: {  	_ =	shalt  }
0x83: {  	_ =	shalt  }
0x84: {  	_ =	shalt  }
0x85: {  	_ =	shalt  }
0x86: {  	_ =	shalt  }
0x87: {  	_ =	shalt  }
.Lfunc_end0:
.L_simem_size_0:
called_computation_lowered:
.L_overlay_start_0:
0x88: {  	s2 =	sld [smem:$0x3FD9]  }
0x89: {  	s3 =	sld [smem:$0x3FFE];
	_ =	sdelay $0x1  }
0x8a: {  	s1 =	srdreg.scid  }
0x8b: {  	s0 =	sand.u32 $0x1, s1  }
0x8c: {  	s16 =	sshll.u32 s0, $0xA;
	s2 =	sadd.s32 s3, s2  }
0x8d: {  	s2 =	sadd.s32 s2, s16  }
0x8e: {  	[smem:$0x3FC0] =	sst s2  }
0x8f: {  	_ = 	snop  }
0x90: {  	(tm) =	ssettm $0x1  }
0x91: {  	s17 =	sld [smem:$0x3FFB];
	_ =	sdelay $0x3  }
0x92: {  	_ =	strace s17  }
0x93: {  	s2 =	sld [smem:$0x3FFC];
	_ =	sdelay $0x3  }
0x94: {  	_ =	strace s2  }
0x95: {  	s2 =	sld [smem:$0x3FFD];
	_ =	sdelay $0x3  }
0x96: {  	_ =	strace s2  }
0x97: {  	_ =	strace $0x8FFFFFFF  }
0x98: {  	s18 =	sld [smem:$0x3FDB];
	_ =	sdelay $0x1  }
0x99: {  	s19 =	simm.s32 $_scs_section_size  }
0x9a: {  	s4 =	simm.s32 $_size__tile_overlayer_lowered;
	s5 =	simm.s32 $_tile_overlayer_lowered  }
0x9b: {  	s22 =	simm.s32 $0x1BFF;
	s21 =	sshll.u32 s5, $0x1;
	s2 =	sadd.s32 s19, s18  }
0x9c: {  	s6 =	simm.s32 $0x0;
	s20 =	sshll.u32 s4, $0x1;
	s4 =	sadd.s32 s21, s2  }
0x9d: {  	[timem:s6], [sflag:s22] =	dma.local [hbm:s4], s20  }
0x9e: {  	_ =	swait.ge [sflag:s22], s20  }
0x9f: {  	s3 =	ssub.s32 $0x0, s20;
	[sflag:s22] =	ssyncset.done $0x0  }
0xa0: {  	[sflag:s22] =	ssyncadd.s32 s3;
	_ =	sdelay $0x1  }
0xa1: {  	s23 =	simm.s32 $0x1B8B  }
0xa2: {  	_ =	swait.ge [sflag:s23], $0x1  }
0xa3: {  	[sflag:s23] =	ssyncset.done $0x0  }
0xa4: {  	s25 =	simm.s32 $0x1B8E;
	s24 =	sld [smem:$0x3FFE];
	[sflag:s23] =	ssyncadd.s32 $0xFFFFFFFF  }
0xa5: {  	s26 =	simm.s32 $execute0_lowered;
	[smem:$0x3FD2] =	sst s25  }
0xa6: {  	s4 =	sshll.u32 s26, $0x1;
	_ =	strace $0x80000046;
	[dreg:$0x1] =	wrdreg $0xFFFFFFFF  }
0xa7: {  	s28 =	simm.s32 $_size_execute0_lowered;
	s2 =	sadd.s32 s2, s4;
	[dreg:$0x0] =	wrdreg $0x0  }
0xa8: {  	s4 =	sshll.u32 s28, $0x1;
	[dreg:$0x2] =	wrdreg s2  }
0xa9: {  	[dreg:$0x3] =	wrdreg s4  }
0xaa: {  	[dreg:$0x4] =	wrdreg $0xC0  }
0xab: {  	_ =	task [dreg:s6], $0x5FFFF  }
0xac: {  	[dreg:$0x1] =	wrdreg $0xFFFFFFFF  }
0xad: {  	[dreg:$0x0] =	wrdreg $0x60  }
0xae: {  	[dreg:$0x2] =	wrdreg s24  }
0xaf: {  	[dreg:$0x3] =	wrdreg $0x9  }
0xb0: {  	_ =	task.clear_ibuf [dreg:s6], $0x4FFFF;
	_ =	strace $0x90000046  }
0xb1: {  	s29 =	simm.s32 $0x9;
	_ =	strace $0x80000048  }
0xb2: {  	_ =	swait.ge [sflag:s29], $0x1  }
0xb3: {  	[sflag:s29] =	ssyncadd.s32 $0xFFFFFFFF  }
0xb4: {  	_ =	strace $0x90000048  }
0xb5: {  	_ =	sfence  }
0xb6: {  	s30 =	sld [smem:$0x0];
	_ =	sdelay $0x2  }
0xb7: {  	s31 =	sshll.u32 s1, $0xD;
	s1 =	sshrl.u32 s1, $0x2  }
0xb8: {  	s3 =	sand.u32 $0x4000, s31;
	s1 =	sadd.s32 s1, s30  }
0xb9: {  	s0 =	sor.u32 s3, s0;
	s1 =	sshll.u32 s1, $0x11  }
0xba: {  	s0 =	sor.u32 s1, s0  }
0xbb: {  	s0 =	sadd.s32 $0x8F2B, s0  }
0xbc: {  	[sflag:s0] =	ssyncadd.remote.s32 $0x1  }
0xbd: {  	_ =	sfence.sel $0xFFFF  }
0xbe: {  	[dreg:$0x0] =	wrdreg $0xFFFFFFFF;
	(pc) =	sbr.abs _section_cstart, $3  }
0xbf: {  	[dreg:$0x1] =	wrdreg $0xFFFFFFFF  }
0xc0: {  	_ =	task.clear_ibuf [dreg:s6], $0x2FFFF;
	_ =	strace $0x9FFFFFFF  }
0xc1: {  	(tm) =	ssettm $0x7FFFFFFF  }
tec
execute0_lowered:
.L_overlay_start_1:
0x0: {  	(tag) =	ssettag $0x1  }
0x1: {  	s1 =	srdreg.scid  }
0x2: {  	s0 =	stileid.u32;
	s6 =	sand.u32 $0x1, s1  }
0x3: {  	s8 =	rddreg [dreg:$0x0];
	s30 =	sshll.u32 s0, $0xA;
	s2 =	sshll.u32 s6, $0x9  }
0x4: {  	s7 =	simm.s32 $0x1;
	s1 =	rddreg [dreg:$0x1];
	s9 =	sor.u32 s2, s30  }
0x5: {  	s5 =	sadd.s32 $0x1E00, s8;
	s2 =	simm.s32 $0x0;
	s3 =	sshrl.u32 s9, $0x3  }
0x6: {  	s10 =	ssub.s32 $0x2, s6;
	[smem:$0x7FF] =	sst s2;
	s3 =	sadd.s32 s3, s8  }
0x7: {  	_ =	strace $0x80000047;
	s4 =	sadd.s32 $0x1600, s3;
	s3 =	simm.s32 $0x2  }
0x8: {  	[tilespmem:s2], [sflag:$0x2] =	stream.linear.gather [hbm4b:s4+s2], $0x200, $0x38;
	[tilespmem:$0x10200] =	vst v63  }
0x9: {  	s6 =	simm.s32 $0x200;
	s11 =	sshrl.u32 s10, $0x1;
	_ =	swait.ge [sflag:s3], $0x200  }
0xa: {  	s9 =	sshll.u32 s9, $0x4;
	s31 =	ssub.s32 s10, s11;
	[sflag:s3] =	ssyncset.done $0x0  }
0xb: {  	s8 =	sadd.s32 s9, s8;
	s9 =	smax.u32 s31, $0x1;
	[sflag:s3] =	ssyncadd.s32 $0xFFFFFE00  }
0xc: {  	[tilespmem:s6], [sflag:$0x1] =	stream.indirect.gather [hbm4b:s5+s6], $0x80, s2, s6, $0xb8;
	[tilespmem:$0x10200] =	vst v63  }
0xd: {  	p0 =	sne.s32 s9, $0x1;
	_ =	swait.ge [sflag:s7], $0x10000  }
.Ltmp0:
0xe: {  	[sflag:s7] =	ssyncset.done $0x0;
	(pc) =	sbr.rel @!p0 .LBB2_2-.Ltmp0, $4  }
0xf: {  	s8 =	sadd.s32 $0x3E1E00, s8;
	[sflag:s7] =	ssyncadd.s32 $0xFFFF0000  }
0x10: {  	[hbm4b:s8+s2] =	stream.linear.scatter [tilespmem:s6], [sflag:$0x2], $0x10000, $0x38;
	[tilespmem:$0x10200] =	vst v63  }
0x11: {  	_ =	swait.ge [sflag:s3], $0x10000  }
0x12: {  	s9 =	sadd.s32 $0xFFFFFFFF, s9;
	[sflag:s3] =	ssyncset.done $0x0  }
.LBB2_1:
0x13: {  	p0 =	sne.s32 s9, $0x1;
	s9 =	sadd.s32 $0xFFFFFFFF, s9;
	[sflag:s3] =	ssyncadd.s32 $0xFFFF0000  }
0x14: {  	[tilespmem:s2], [sflag:$0x2] =	stream.linear.gather [hbm4b:s4+s2], $0x200, $0x38;
	[tilespmem:$0x10200] =	vst v63  }
0x15: {  	_ =	swait.ge [sflag:s3], $0x200  }
0x16: {  	[sflag:s3] =	ssyncset.done $0x0  }
0x17: {  	[sflag:s3] =	ssyncadd.s32 $0xFFFFFE00  }
0x18: {  	[tilespmem:s6], [sflag:$0x1] =	stream.indirect.gather [hbm4b:s5+s6], $0x80, s2, s6, $0xb8;
	[tilespmem:$0x10200] =	vst v63  }
0x19: {  	_ =	swait.ge [sflag:s7], $0x10000  }
.Ltmp1:
0x1a: {  	[sflag:s7] =	ssyncset.done $0x0;
	(pc) =	sbr.rel @p0 .LBB2_1-.Ltmp1, $4  }
0x1b: {  	[sflag:s7] =	ssyncadd.s32 $0xFFFF0000  }
0x1c: {  	[hbm4b:s8+s2] =	stream.linear.scatter [tilespmem:s6], [sflag:$0x2], $0x10000, $0x38;
	[tilespmem:$0x10200] =	vst v63  }
0x1d: {  	_ =	swait.ge [sflag:s3], $0x10000  }
0x1e: {  	[sflag:s3] =	ssyncset.done $0x0  }
.LBB2_2:
0x1f: {  	[sflag:s3] =	ssyncadd.s32 $0xFFFF0000  }
0x20: {  	_ =	sfence.sel $0x180000  }
0x21: {  	[bflag:$0x0] =	sbarrier.arrive $0xFFFF  }
0x22: {  	p0 =	sne.s32 s0, $0x0;
	_ =	strace $0x90000047  }
0x23: {  	s0 =	sadd.s32 @!p0 $0x100000, s1;
	[bflag:$0x2] =	sbarrier.arrive $0xFFFF  }
0x24: {  	[sflag:s0] =	ssyncadd.tile.s32 @!p0 $0x1;
	_ =	shalt  }
.Lfunc_end2:
_tile_overlayer_lowered:
.L_overlay_start_2:
0x25: {  	(tag) =	ssettag $0x2  }
0x26: {  	s0 =	rddreg [dreg:$0x0];
	s2 =	stileid.u32  }
0x27: {  	s1 =	rddreg [dreg:$0x1];
	p0 =	sne.s32 s2, $0x0  }
0x28: {  	s3 =	rddreg [dreg:$0x2];
	[bflag:$0x3] =	sbarrier.arrive $0xFFFF;
	s2 =	simm.s32 @!p0 $0x1C02  }
0x29: {  	[timem:s3], [sflag:s2] =	dma.local @!p0 [hbm:s0], s1  }
0x2a: {  	s0 =	simm.s32 @!p0 $0x2  }
0x2b: {  	_ =	swait.ge @!p0 [sflag:s0], s1  }
0x2c: {  	s1 =	ssub.s32 @!p0 $0x0, s1;
	[sflag:s0] =	ssyncset.done @!p0 $0x0  }
0x2d: {  	[sflag:s0] =	ssyncadd.s32 @!p0 s1  }
0x2e: {  	[bflag:$0x3] =	sbarrier.arrive $0xFFFF  }
0x2f: {  	_ =	shalt  }

// kernel: sc_packed_gather.7.cloned.1.call-start
scs
__scs_entry_jumppad:
0x0: {  	(pc) =	sbr.rel $0x88, $3  }
0x1: {  	(tag) =	ssettag $0x0;
	lr =	simm.s32 $0x1  }
0x2: {  	[smem:$0x3F99] =	sst lr;
	_ =	strace $0xD0000000  }
0x3: {  	_ = 	snop  }
0x4: {  	_ = 	snop  }
0x5: {  	_ = 	snop  }
0x6: {  	_ = 	snop  }
0x7: {  	_ = 	snop  }
__scs_overlays_trampoline_lowered:
0x8: {  	[smem:$0x3FA8] =	sst s0  }
0x9: {  	[smem:$0x3FA9] =	sst s1  }
0xa: {  	[smem:$0x3FAA] =	sst s2  }
0xb: {  	[smem:$0x3FAB] =	sst s3  }
0xc: {  	[smem:$0x3FAC] =	sst s4  }
0xd: {  	[smem:$0x3FAD] =	sst s5  }
0xe: {  	[smem:$0x3FAE] =	sst s6  }
0xf: {  	[smem:$0x3FAF] =	sst s7  }
0x10: {  	[smem:$0x3FB0] =	sst s8  }
0x11: {  	[smem:$0x3FB1] =	sst s9;
	s0 =	simm.s32 @!p0 $0x0  }
0x12: {  	s1 =	sld [smem:$0x3F97];
	s0 =	simm.s32 @p0 $0x1  }
0x13: {  	[smem:$0x3FB2] =	sst s0;
	s0 =	simm.s32 @!p1 $0x0  }
0x14: {  	s2 =	sld [smem:$0x3F96];
	s0 =	simm.s32 @p1 $0x1  }
0x15: {  	[smem:$0x3FB3] =	sst s0;
	s0 =	simm.s32 @!p2 $0x0  }
0x16: {  	s3 =	sld [smem:$0x3FDB];
	s0 =	simm.s32 @p2 $0x1  }
0x17: {  	s4 =	simm.s32 $0x1BF5;
	[smem:$0x3FB5] =	sst s0  }
0x18: {  	s0 =	sld [smem:$0x3F98];
	_ =	swait.ge [sflag:s4], $0x0  }
0x19: {  	s7 =	sld [smem:$0x3F99]  }
0x1a: {  	s8 =	sadd.s32 $0xFFFFE003, lr  }
0x1b: {  	s9 =	sadd.s32 $0xFFFFFEF7, lr;
	s5 =	simm.s32 $0xFFFFFFFF;
	p2 =	slt.u32 s8, $0xFFFFF086  }
0x1c: {  	p1 =	slt.u32 s9, $0xF7A;
	s5 =	simm.s32 @!p2 $0x0  }
0x1d: {  	s5 =	simm.s32 @p1 $0x1;
	p0 =	seq.s32 s7, s2  }
0x1e: {  	s7 =	smul.u32 @!p0 $0xF7A, s2;
	p2 =	seq.s32 @!p0 s5, $0x0  }
0x1f: {  	s9 =	smul.u32 $0xF7A, s1;
	s8 =	simm.s32 @!p0 $0x1BF5;
	p2 =	por !p2, p0  }
0x20: {  	[sflag:s8] =	ssyncset.s32 @!p0 $0xFFFFF086;
	s6 =	sadd.s32 @!p0 s3, s7;
	s7 =	simm.s32 @!p0 $0x108  }
0x21: {  	s3 =	sadd.s32 s3, s9;
	s6 =	sadd.s32 @!p0 $0x88, s6;
	s7 =	simm.s32 @p2 $0x1082  }
0x22: {  	[simem:s7], [sflag:s8] =	dma.local @!p0 [hbm:s6], $0xF7A  }
0x23: {  	s9 =	sor.u32 $0xD0000000, s2;
	s6 =	simm.s32 $0x108;
	_ =	swait.ge @!p0 [sflag:s8], $0x0  }
0x24: {  	s3 =	sadd.s32 $0x88, s3;
	s6 =	simm.s32 @!p1 $0x1082;
	[sflag:s4] =	ssyncset.s32 $0xFFFFF086  }
0x25: {  	[simem:s6], [sflag:s4] =	dma.local [hbm:s3], $0xF7A  }
0x26: {  	[smem:$0x3F99] =	sst s1;
	(tag) =	ssettag s2;
	_ =	strace s9  }
0x27: {  	s1 =	sld [smem:$0x3FA9]  }
0x28: {  	s2 =	sld [smem:$0x3FAA]  }
0x29: {  	s4 =	sld [smem:$0x3FAC]  }
0x2a: {  	p0 =	seq.s32 s5, $0x0;
	s5 =	sld [smem:$0x3FAD]  }
0x2b: {  	s6 =	sld [smem:$0x3FAE]  }
0x2c: {  	s7 =	sld [smem:$0x3FAF]  }
0x2d: {  	s3 =	simm.s32 $0x108;
	s8 =	sld [smem:$0x3FB0]  }
0x2e: {  	s3 =	simm.s32 @!p0 $0x1082;
	s9 =	sld [smem:$0x3FB1]  }
0x2f: {  	lr =	sadd.s32 s0, s3;
	s0 =	sld [smem:$0x3FA8]  }
0x30: {  	s3 =	sld [smem:$0x3FAB]  }
0x31: {  	[smem:$0x3FB4] =	sst s10  }
0x32: {  	s10 =	sld [smem:$0x3FB2];
	_ =	sdelay $0x3  }
0x33: {  	p0 =	seq.s32 s10, $0x1;
	s10 =	sld [smem:$0x3FB4];
	_ =	sdelay $0x3  }
0x34: {  	[smem:$0x3FB4] =	sst s10  }
0x35: {  	s10 =	sld [smem:$0x3FB3];
	_ =	sdelay $0x3  }
0x36: {  	p1 =	seq.s32 s10, $0x1;
	s10 =	sld [smem:$0x3FB4];
	_ =	sdelay $0x3  }
0x37: {  	[smem:$0x3FB4] =	sst s10  }
0x38: {  	s10 =	sld [smem:$0x3FB5]  }
0x39: {  	_ = 	snop;
	(pc) =	sbr.ind lr, $3  }
0x3a: {  	_ = 	snop  }
0x3b: {  	_ = 	snop  }
0x3c: {  	p2 =	seq.s32 s10, $0x1;
	s10 =	sld [smem:$0x3FB4]  }
0x3d: {  	_ =	shalt  }
0x3e: {  	_ =	shalt  }
0x3f: {  	_ =	shalt  }
0x40: {  	_ =	shalt  }
0x41: {  	_ =	shalt  }
0x42: {  	_ =	shalt  }
0x43: {  	_ =	shalt  }
0x44: {  	_ =	shalt  }
0x45: {  	_ =	shalt  }
0x46: {  	_ =	shalt  }
0x47: {  	_ =	shalt  }
0x48: {  	_ =	shalt  }
0x49: {  	_ =	shalt  }
0x4a: {  	_ =	shalt  }
0x4b: {  	_ =	shalt  }
0x4c: {  	_ =	shalt  }
0x4d: {  	_ =	shalt  }
0x4e: {  	_ =	shalt  }
0x4f: {  	_ =	shalt  }
0x50: {  	_ =	shalt  }
0x51: {  	_ =	shalt  }
0x52: {  	_ =	shalt  }
0x53: {  	_ =	shalt  }
0x54: {  	_ =	shalt  }
0x55: {  	_ =	shalt  }
0x56: {  	_ =	shalt  }
0x57: {  	_ =	shalt  }
0x58: {  	_ =	shalt  }
0x59: {  	_ =	shalt  }
0x5a: {  	_ =	shalt  }
0x5b: {  	_ =	shalt  }
0x5c: {  	_ =	shalt  }
0x5d: {  	_ =	shalt  }
0x5e: {  	_ =	shalt  }
0x5f: {  	_ =	shalt  }
0x60: {  	_ =	shalt  }
0x61: {  	_ =	shalt  }
0x62: {  	_ =	shalt  }
0x63: {  	_ =	shalt  }
0x64: {  	_ =	shalt  }
0x65: {  	_ =	shalt  }
0x66: {  	_ =	shalt  }
0x67: {  	_ =	shalt  }
0x68: {  	_ =	shalt  }
0x69: {  	_ =	shalt  }
0x6a: {  	_ =	shalt  }
0x6b: {  	_ =	shalt  }
0x6c: {  	_ =	shalt  }
0x6d: {  	_ =	shalt  }
0x6e: {  	_ =	shalt  }
0x6f: {  	_ =	shalt  }
0x70: {  	_ =	shalt  }
0x71: {  	_ =	shalt  }
0x72: {  	_ =	shalt  }
0x73: {  	_ =	shalt  }
0x74: {  	_ =	shalt  }
0x75: {  	_ =	shalt  }
0x76: {  	_ =	shalt  }
0x77: {  	_ =	shalt  }
0x78: {  	_ =	shalt  }
0x79: {  	_ =	shalt  }
0x7a: {  	_ =	shalt  }
0x7b: {  	_ =	shalt  }
0x7c: {  	_ =	shalt  }
0x7d: {  	_ =	shalt  }
0x7e: {  	_ =	shalt  }
0x7f: {  	_ =	shalt  }
0x80: {  	_ =	shalt  }
0x81: {  	_ =	shalt  }
0x82: {  	_ =	shalt  }
0x83: {  	_ =	shalt  }
0x84: {  	_ =	shalt  }
0x85: {  	_ =	shalt  }
0x86: {  	_ =	shalt  }
0x87: {  	_ =	shalt  }
.Lfunc_end0:
.L_simem_size_0:
called_computation.1_lowered:
.L_overlay_start_0:
0x88: {  	s2 =	sld [smem:$0x3FD9]  }
0x89: {  	s3 =	sld [smem:$0x3FFE];
	_ =	sdelay $0x1  }
0x8a: {  	s1 =	srdreg.scid  }
0x8b: {  	s0 =	sand.u32 $0x1, s1  }
0x8c: {  	s17 =	sshll.u32 s0, $0xA;
	s2 =	sadd.s32 s3, s2  }
0x8d: {  	s2 =	sadd.s32 s2, s17  }
0x8e: {  	[smem:$0x3FC0] =	sst s2  }
0x8f: {  	_ = 	snop  }
0x90: {  	(tm) =	ssettm $0x1  }
0x91: {  	s18 =	sld [smem:$0x3FFB];
	_ =	sdelay $0x3  }
0x92: {  	_ =	strace s18  }
0x93: {  	s2 =	sld [smem:$0x3FFC];
	_ =	sdelay $0x3  }
0x94: {  	_ =	strace s2  }
0x95: {  	s2 =	sld [smem:$0x3FFD];
	_ =	sdelay $0x3  }
0x96: {  	_ =	strace s2  }
0x97: {  	_ =	strace $0x8FFFFFFF  }
0x98: {  	s19 =	sld [smem:$0x3FDB];
	_ =	sdelay $0x1  }
0x99: {  	s20 =	simm.s32 $_scs_section_size  }
0x9a: {  	s4 =	simm.s32 $_size__tile_overlayer_lowered;
	s5 =	simm.s32 $_tile_overlayer_lowered  }
0x9b: {  	s6 =	simm.s32 $0x1BFF;
	s21 =	sshll.u32 s5, $0x1;
	s3 =	sadd.s32 s20, s19  }
0x9c: {  	s22 =	simm.s32 $0x0;
	s4 =	sshll.u32 s4, $0x1;
	s5 =	sadd.s32 s21, s3  }
0x9d: {  	[timem:s22], [sflag:s6] =	dma.local [hbm:s5], s4  }
0x9e: {  	_ =	swait.ge [sflag:s6], s4  }
0x9f: {  	s4 =	ssub.s32 $0x0, s4;
	[sflag:s6] =	ssyncset.done $0x0  }
0xa0: {  	[sflag:s6] =	ssyncadd.s32 s4;
	_ =	sdelay $0x1  }
0xa1: {  	s23 =	simm.s32 $0x1B8B  }
0xa2: {  	_ =	swait.ge [sflag:s23], $0x1  }
0xa3: {  	[sflag:s23] =	ssyncset.done $0x0  }
0xa4: {  	[sflag:s23] =	ssyncadd.s32 $0xFFFFFFFF  }
0xa5: {  	s4 =	sld [smem:$0x0]  }
0xa6: {  	s5 =	sand.u32 $0xFFFFFFFE, s1  }
0xa7: {  	p0 =	sne.s32 s1, s5  }
0xa8: {  	s5 =	sshll.u32 @p0 s5, $0xE  }
0xa9: {  	s5 =	sadd.s32 @p0 $0x11B8D, s5;
	s6 =	sshll.u32 @p0 s4, $0x11  }
0xaa: {  	s5 =	sor.u32 @p0 s6, s5  }
0xab: {  	[sflag:s5] =	ssyncadd.remote.s32 @p0 $0x1;
	_ =	sdelay $0x1  }
0xac: {  	s5 =	simm.s32 @p0 $0x1B8D  }
0xad: {  	_ =	swait.eq @p0 [sflag:s5], $0x1  }
0xae: {  	[sflag:s5] =	ssyncadd.s32 @p0 $0xFFFFFFFF  }
0xaf: {  	s6 =	sshll.u32 @!p0 s1, $0xE  }
0xb0: {  	s6 =	sor.u32 @!p0 $0x4000, s6;
	s5 =	simm.s32 @!p0 $0x1B8D  }
0xb1: {  	s4 =	sshll.u32 @!p0 s4, $0x11;
	s6 =	sadd.s32 @!p0 $0x11B8D, s6;
	_ =	swait.eq @!p0 [sflag:s5], $0x1  }
0xb2: {  	s4 =	sor.u32 @!p0 s4, s6;
	[sflag:s5] =	ssyncadd.s32 @!p0 $0xFFFFFFFF  }
0xb3: {  	s25 =	simm.s32 $0x1B8E;
	s24 =	sld [smem:$0x3FFE];
	[sflag:s4] =	ssyncadd.remote.s32 @!p0 $0x1  }
0xb4: {  	s26 =	simm.s32 $execute0_lowered;
	[smem:$0x3FD2] =	sst s25  }
0xb5: {  	s5 =	sshll.u32 s26, $0x1;
	_ =	strace $0x80000049;
	[dreg:$0x1] =	wrdreg $0xFFFFFFFF  }
0xb6: {  	s28 =	simm.s32 $_size_execute0_lowered;
	s3 =	sadd.s32 s3, s5;
	[dreg:$0x0] =	wrdreg $0x0  }
0xb7: {  	s5 =	sshll.u32 s28, $0x1;
	[dreg:$0x2] =	wrdreg s3  }
0xb8: {  	[dreg:$0x3] =	wrdreg s5  }
0xb9: {  	[dreg:$0x4] =	wrdreg $0xC0  }
0xba: {  	_ =	task [dreg:s22], $0x5FFFF  }
0xbb: {  	[dreg:$0x1] =	wrdreg $0xFFFFFFFF  }
0xbc: {  	[dreg:$0x0] =	wrdreg $0x60  }
0xbd: {  	[dreg:$0x2] =	wrdreg s24  }
0xbe: {  	[dreg:$0x3] =	wrdreg $0xA  }
0xbf: {  	_ =	task.clear_ibuf [dreg:s22], $0x4FFFF;
	_ =	strace $0x90000049  }
0xc0: {  	s29 =	simm.s32 $0xA;
	_ =	strace $0x8000004B  }
0xc1: {  	_ =	swait.ge [sflag:s29], $0x1  }
0xc2: {  	[sflag:s29] =	ssyncadd.s32 $0xFFFFFFFF  }
0xc3: {  	_ =	strace $0x9000004B  }
0xc4: {  	_ =	sfence  }
0xc5: {  	s30 =	sld [smem:$0x0];
	_ =	sdelay $0x2  }
0xc6: {  	s31 =	sshll.u32 s1, $0xD;
	s1 =	sshrl.u32 s1, $0x2  }
0xc7: {  	s4 =	sand.u32 $0x4000, s31;
	s1 =	sadd.s32 s1, s30  }
0xc8: {  	s0 =	sor.u32 s4, s0;
	s1 =	sshll.u32 s1, $0x11  }
0xc9: {  	s0 =	sor.u32 s1, s0  }
0xca: {  	s0 =	sadd.s32 $0x8F2B, s0  }
0xcb: {  	[sflag:s0] =	ssyncadd.remote.s32 $0x1  }
0xcc: {  	_ =	sfence.sel $0xFFFF  }
0xcd: {  	[dreg:$0x0] =	wrdreg $0xFFFFFFFF;
	(pc) =	sbr.abs _section_cstart, $3  }
0xce: {  	[dreg:$0x1] =	wrdreg $0xFFFFFFFF  }
0xcf: {  	_ =	task.clear_ibuf [dreg:s22], $0x2FFFF;
	_ =	strace $0x9FFFFFFF  }
0xd0: {  	(tm) =	ssettm $0x7FFFFFFF  }
0xd1: {  	_ =	shalt  }
tec
execute0_lowered:
.L_overlay_start_1:
0x0: {  	(tag) =	ssettag $0x1  }
0x1: {  	s1 =	srdreg.scid  }
0x2: {  	s0 =	stileid.u32;
	s6 =	sand.u32 $0x1, s1  }
0x3: {  	s8 =	rddreg [dreg:$0x0];
	s30 =	sshll.u32 s0, $0xA;
	s2 =	sshll.u32 s6, $0x9  }
0x4: {  	s7 =	simm.s32 $0x1;
	s1 =	rddreg [dreg:$0x1];
	s9 =	sor.u32 s2, s30  }
0x5: {  	s5 =	sadd.s32 $0x421E00, s8;
	s2 =	simm.s32 $0x0;
	s3 =	sshrl.u32 s9, $0x3  }
0x6: {  	s10 =	ssub.s32 $0x2, s6;
	[smem:$0x7FF] =	sst s2;
	s3 =	sadd.s32 s3, s8  }
0x7: {  	_ =	strace $0x8000004A;
	s4 =	sadd.s32 $0x801E00, s3;
	s3 =	simm.s32 $0x2  }
0x8: {  	[tilespmem:s2], [sflag:$0x2] =	stream.linear.gather [hbm4b:s4+s2], $0x200, $0x38;
	[tilespmem:$0x10200] =	vst v63  }
0x9: {  	s6 =	simm.s32 $0x200;
	s11 =	sshrl.u32 s10, $0x1;
	_ =	swait.ge [sflag:s3], $0x200  }
0xa: {  	s9 =	sshll.u32 s9, $0x4;
	s31 =	ssub.s32 s10, s11;
	[sflag:s3] =	ssyncset.done $0x0  }
0xb: {  	s8 =	sadd.s32 s9, s8;
	s9 =	smax.u32 s31, $0x1;
	[sflag:s3] =	ssyncadd.s32 $0xFFFFFE00  }
0xc: {  	[tilespmem:s6], [sflag:$0x1] =	stream.indirect.gather [hbm4b:s5+s6], $0x80, s2, s6, $0xb8;
	[tilespmem:$0x10200] =	vst v63  }
0xd: {  	p0 =	sne.s32 s9, $0x1;
	_ =	swait.ge [sflag:s7], $0x10000  }
.Ltmp0:
0xe: {  	[sflag:s7] =	ssyncset.done $0x0;
	(pc) =	sbr.rel @!p0 .LBB2_2-.Ltmp0, $4  }
0xf: {  	s8 =	sadd.s32 $0x802600, s8;
	[sflag:s7] =	ssyncadd.s32 $0xFFFF0000  }
0x10: {  	[hbm4b:s8+s2] =	stream.linear.scatter [tilespmem:s6], [sflag:$0x2], $0x10000, $0x38;
	[tilespmem:$0x10200] =	vst v63  }
0x11: {  	_ =	swait.ge [sflag:s3], $0x10000  }
0x12: {  	s9 =	sadd.s32 $0xFFFFFFFF, s9;
	[sflag:s3] =	ssyncset.done $0x0  }
.LBB2_1:
0x13: {  	p0 =	sne.s32 s9, $0x1;
	s9 =	sadd.s32 $0xFFFFFFFF, s9;
	[sflag:s3] =	ssyncadd.s32 $0xFFFF0000  }
0x14: {  	[tilespmem:s2], [sflag:$0x2] =	stream.linear.gather [hbm4b:s4+s2], $0x200, $0x38;
	[tilespmem:$0x10200] =	vst v63  }
0x15: {  	_ =	swait.ge [sflag:s3], $0x200  }
0x16: {  	[sflag:s3] =	ssyncset.done $0x0  }
0x17: {  	[sflag:s3] =	ssyncadd.s32 $0xFFFFFE00  }
0x18: {  	[tilespmem:s6], [sflag:$0x1] =	stream.indirect.gather [hbm4b:s5+s6], $0x80, s2, s6, $0xb8;
	[tilespmem:$0x10200] =	vst v63  }
0x19: {  	_ =	swait.ge [sflag:s7], $0x10000  }
.Ltmp1:
0x1a: {  	[sflag:s7] =	ssyncset.done $0x0;
	(pc) =	sbr.rel @p0 .LBB2_1-.Ltmp1, $4  }
0x1b: {  	[sflag:s7] =	ssyncadd.s32 $0xFFFF0000  }
0x1c: {  	[hbm4b:s8+s2] =	stream.linear.scatter [tilespmem:s6], [sflag:$0x2], $0x10000, $0x38;
	[tilespmem:$0x10200] =	vst v63  }
0x1d: {  	_ =	swait.ge [sflag:s3], $0x10000  }
0x1e: {  	[sflag:s3] =	ssyncset.done $0x0  }
.LBB2_2:
0x1f: {  	[sflag:s3] =	ssyncadd.s32 $0xFFFF0000  }
0x20: {  	_ =	sfence.sel $0x180000  }
0x21: {  	[bflag:$0x0] =	sbarrier.arrive $0xFFFF  }
0x22: {  	p0 =	sne.s32 s0, $0x0;
	_ =	strace $0x9000004A  }
0x23: {  	s0 =	sadd.s32 @!p0 $0x100000, s1;
	[bflag:$0x2] =	sbarrier.arrive $0xFFFF  }
0x24: {  	[sflag:s0] =	ssyncadd.tile.s32 @!p0 $0x1;
	_ =	shalt  }
.Lfunc_end2:
_tile_overlayer_lowered:
.L_overlay_start_2:
0x25: {  	(tag) =	ssettag $0x2  }
0x26: {  	s0 =	rddreg [dreg:$0x0];
	s2 =	stileid.u32  }
0x27: {  	s1 =	rddreg [dreg:$0x1];
	p0 =	sne.s32 s2, $0x0  }
0x28: {  	s3 =	rddreg [dreg:$0x2];
	[bflag:$0x3] =	sbarrier.arrive $0xFFFF;
	s2 =	simm.s32 @!p0 $0x1C02  }
0x29: {  	[timem:s3], [sflag:s2] =	dma.local @!p0 [hbm:s0], s1  }
0x2a: {  	s0 =	simm.s32 @!p0 $0x2  }
0x2b: {  	_ =	swait.ge @!p0 [sflag:s0], s1  }
0x2c: {  	s1 =	ssub.s32 @!p0 $0x0, s1;
	[sflag:s0] =	ssyncset.done @!p0 $0x0  }
0x2d: {  	[sflag:s0] =	ssyncadd.s32 @!p0 s1  }
0x2e: {  	[bflag:$0x3] =	sbarrier.arrive $0xFFFF  }
0x2f: {  	_ =	shalt  }

</sc_bundles>
